<compile_context>
chip_gen: v7x
topology: tpu7x:2x2x1
jax: 0.10.2.dev20260603
libtpu: 0.0.44.dev20260713+nightly
codegen_flags: <defaults>
</compile_context>

<pallas_src>
import jax
import jax.numpy as jnp
from jax.experimental import pallas as pl

ALPHA = 0.1
ROWS = 128


def _scale_kernel(x_ref, o_ref):
    blk = x_ref[...]
    mx = jnp.max(blk, axis=1, keepdims=True)
    mn = jnp.min(blk, axis=1, keepdims=True)
    d = mx - mn
    factor = jnp.where((mx > mn) & jnp.isfinite(d),
                       jnp.float32(ALPHA), jnp.float32(1.0))
    o_ref[...] = blk * factor


def kernel(cam):
    b, c, m, n = cam.shape
    rows = b * c
    cols = m * n
    x = cam.reshape(rows, cols)
    grid = (rows // ROWS,)
    out = pl.pallas_call(
        _scale_kernel,
        grid=grid,
        in_specs=[pl.BlockSpec((ROWS, cols), lambda i: (i, 0))],
        out_specs=pl.BlockSpec((ROWS, cols), lambda i: (i, 0)),
        out_shape=jax.ShapeDtypeStruct((rows, cols), cam.dtype),
    )(x)
    return out.reshape(b, c, m, n)

# --- scband reference (transcript-rebuilt; emitter-appended) ---
"""Pipeline reference for scband-diversification-block-50861002719974 (READ-ONLY COPY).

The authoritative reference and input builder live on the scoring server;
editing this copy changes nothing except your own understanding.
"""

import jax, jax.numpy as jnp
import numpy as np

KERNEL_SIZE = 4
ALPHA = 0.1

def setup_inputs(seed: int = 0):
    key = jax.random.key(seed)
    cam = jax.random.normal(key, (64, 200, 56, 56), dtype=jnp.float32)
    return {"cam": cam}

def reference(cam):
    ks = KERNEL_SIZE
    # activation = cam.clone().detach()
    activation = jax.lax.stop_gradient(cam)
    min_val = jnp.min(jnp.min(activation, axis=-1), axis=-1)
    max_val = jnp.max(jnp.max(activation, axis=-1), axis=-1)
    activation = (activation - min_val[:, :, None, None]) / (max_val[:, :, None, None] - min_val[:, :, None, None])
    p_peak = jnp.max(jnp.max(activation, axis=3), axis=2)  # [b, c], == 1.0 after normalization
    k1, k2 = jax.random.split(jax.random.key(42))
    rc = jax.random.bernoulli(k1, jnp.clip(p_peak, 0.0, 1.0)).astype(jnp.float32)
    b, c, m, n = activation.shape
    # pc: 1 where activation equals its per-(b,c) peak
    pc = (activation == p_peak[:, :, None, None]).astype(jnp.float32)
    bc_dash = rc[:, :, None, None] * pc
    l, k = m // ks, n // ks
    # unfold(2, ks, ks).unfold(3, ks, ks): patches[b,c,i,j,u,v] = act[b,c,i*ks+u, j*ks+v]
    patches = activation.reshape(b, c, l, ks, k, ks).transpose(0, 1, 2, 4, 3, 5)
    max_patch = jnp.max(jnp.max(patches, axis=5), axis=4)  # [b, c, l, k]
    p_patch = jax.random.bernoulli(k2, jnp.clip(max_patch, 0.0, 1.0)).astype(jnp.float32)
    # bc_dd[p_patch == 1] = 1 -> broadcast p_patch over the patch window; fold reassembles spatial map
    bc_dd = jnp.broadcast_to(p_patch[:, :, :, :, None, None], patches.shape)
    bc_dd_batch = bc_dd.transpose(0, 1, 2, 4, 3, 5).reshape(b, c, m, n)
    # zero at peak locations
    bc_dd_batch = jnp.where(activation == p_peak[:, :, None, None], 0.0, bc_dd_batch)
    bc = bc_dash + bc_dd_batch
    # torch: cam[ind[:,0], ind[:,1]] *= alpha -> non-accumulating scatter: each (b,c) pair that
    # appears at least once gets its whole spatial map scaled by alpha exactly once
    suppress_mask = jnp.any(bc == 1.0, axis=(2, 3))  # [b, c]
    factor = jnp.where(suppress_mask[:, :, None, None], jnp.float32(ALPHA), jnp.float32(1.0))
    return cam * factor

if __name__ == "__main__":
    import jax
    _d = setup_inputs()
    print(jax.jit(kernel)(*tuple(_d.values())))

</pallas_src>

<mosaic_0001>
module attributes {stable_mosaic.version = 14 : i64} {
  func.func @_scale_kernel(%arg0: i32, %arg1: memref<128x3136xf32, #tpu.memory_space<vmem>>, %arg2: memref<128x3136xf32, #tpu.memory_space<vmem>>) attributes {dimension_semantics = [#tpu.dimension_semantics<arbitrary>], iteration_bounds = array<i64: 100>, scalar_prefetch = 0 : i64, scratch_operands = 0 : i64, tpu.core_type = #tpu.core_type<tc>, window_params = [{transform_indices = @transform_0, window_bounds = array<i64: 128, 3136>}, {transform_indices = @transform_1, window_bounds = array<i64: 128, 3136>}]} {
    %get3A = arith.constant 0 : index
    %get3A_0 = arith.constant 0 : index
    %get3A_1 = vector.load %arg1[%get3A, %get3A_0] : memref<128x3136xf32, #tpu.memory_space<vmem>>, vector<128x3136xf32>
    %reduce_max3A = arith.constant dense<0xFF800000> : vector<128xf32>
    %reduce_max3A_2 = vector.multi_reduction <maximumf>, %get3A_1, %reduce_max3A [1] : vector<128x3136xf32> to vector<128xf32>
    %broadcast_in_dim3A = vector.shape_cast %reduce_max3A_2 : vector<128xf32> to vector<128x1xf32>
    %reduce_min3A = arith.constant dense<0x7F800000> : vector<128xf32>
    %reduce_min3A_3 = vector.multi_reduction <minimumf>, %get3A_1, %reduce_min3A [1] : vector<128x3136xf32> to vector<128xf32>
    %broadcast_in_dim3A_4 = vector.shape_cast %reduce_min3A_3 : vector<128xf32> to vector<128x1xf32>
    %sub3A = arith.subf %broadcast_in_dim3A, %broadcast_in_dim3A_4 : vector<128x1xf32>
    %gt3A = arith.cmpf ogt, %broadcast_in_dim3A, %broadcast_in_dim3A_4 : vector<128x1xf32>
    %is_finite3A = tpu.weird %sub3A : vector<128x1xf32> -> vector<128x1xi1>
    %is_finite3A_5 = arith.constant dense<true> : vector<128x1xi1>
    %is_finite3A_6 = arith.xori %is_finite3A, %is_finite3A_5 : vector<128x1xi1>
    %and3A = arith.andi %gt3A, %is_finite3A_6 : vector<128x1xi1>
    %jit3A = arith.constant 1.000000e-01 : f32
    %jit3A_7 = arith.constant 1.000000e+00 : f32
    %broadcast_in_dim3A_8 = vector.broadcast %jit3A : f32 to vector<128x1xf32>
    %broadcast_in_dim3A_9 = vector.broadcast %jit3A_7 : f32 to vector<128x1xf32>
    %select_n3A = arith.select %and3A, %broadcast_in_dim3A_8, %broadcast_in_dim3A_9 : vector<128x1xi1>, vector<128x1xf32>
    %mul3A = vector.broadcast %select_n3A : vector<128x1xf32> to vector<128x3136xf32>
    %mul3A_10 = arith.mulf %get3A_1, %mul3A : vector<128x3136xf32>
    %swap3A = arith.constant 0 : index
    %swap3A_11 = arith.constant 0 : index
    %swap3A_12 = vector.load %arg2[%swap3A, %swap3A_11] : memref<128x3136xf32, #tpu.memory_space<vmem>>, vector<128x3136xf32>
    tpu.vector_store %arg2[%swap3A, %swap3A_11], %mul3A_10 {strides = array<i32>} : memref<128x3136xf32, #tpu.memory_space<vmem>>, vector<128x3136xf32>,
    return
  }
  func.func @transform_0(%arg0: i32) -> (i32, i32) {
    %c0_i32 = arith.constant 0 : i32
    %c0_i32_0 = arith.constant 0 : i32
    return %arg0, %c0_i32 : i32, i32
  }
  func.func @transform_1(%arg0: i32) -> (i32, i32) {
    %c0_i32 = arith.constant 0 : i32
    %c0_i32_0 = arith.constant 0 : i32
    return %arg0, %c0_i32 : i32, i32
  }
}

</mosaic_0001>

<sc_bundles>
// kernel: sparse-core-data-format-call.1.cloned.1.call-start
scs
called_computation.1_lowered:
.L_overlay_start_0:
0x0: {  	s2 =	sld [smem:$0x3FD9]  }
0x1: {  	s3 =	sld [smem:$0x3FFE];
	_ =	sdelay $0x1  }
0x2: {  	s1 =	srdreg.scid  }
0x3: {  	s0 =	sand.u32 $0x1, s1  }
0x4: {  	s18 =	sshll.u32 s0, $0xA;
	s2 =	sadd.s32 s3, s2  }
0x5: {  	s2 =	sadd.s32 s2, s18  }
0x6: {  	[smem:$0x3FC7] =	sst s2  }
0x7: {  	_ = 	snop  }
0x8: {  	s2 =	sld [smem:$0x3FC9];
	(tm) =	ssettm $0x1  }
0x9: {  	s19 =	sld [smem:$0x3FFB];
	_ =	sdelay $0x3  }
0xa: {  	_ =	strace s19  }
0xb: {  	s3 =	sld [smem:$0x3FFC];
	_ =	sdelay $0x3  }
0xc: {  	_ =	strace s3  }
0xd: {  	s3 =	sld [smem:$0x3FFD];
	_ =	sdelay $0x3  }
0xe: {  	_ =	strace s3  }
0xf: {  	_ =	strace $0x8FFFFFFF  }
0x10: {  	s20 =	sld [smem:$0x3FDB];
	_ =	sdelay $0x1  }
0x11: {  	s4 =	simm.s32 $_scs_section_size  }
0x12: {  	s5 =	simm.s32 $_size__tile_overlayer_lowered;
	s6 =	simm.s32 $_tile_overlayer_lowered  }
0x13: {  	s23 =	simm.s32 $0x1BFF;
	s22 =	sshll.u32 s6, $0x1;
	s3 =	sadd.s32 s4, s20  }
0x14: {  	s7 =	simm.s32 $0x0;
	s21 =	sshll.u32 s5, $0x1;
	s5 =	sadd.s32 s22, s3  }
0x15: {  	[timem:s7], [sflag:s23] =	dma.local [hbm:s5], s21  }
0x16: {  	_ =	swait.ge [sflag:s23], s21  }
0x17: {  	s4 =	ssub.s32 $0x0, s21;
	[sflag:s23] =	ssyncset.done $0x0  }
0x18: {  	[sflag:s23] =	ssyncadd.s32 s4;
	_ =	sdelay $0x1  }
0x19: {  	s24 =	simm.s32 $0x1B8B  }
0x1a: {  	_ =	swait.ge [sflag:s24], $0x1  }
0x1b: {  	[sflag:s24] =	ssyncset.done $0x0  }
0x1c: {  	s26 =	simm.s32 $0x1B8E;
	s25 =	sld [smem:$0x3FFE];
	[sflag:s24] =	ssyncadd.s32 $0xFFFFFFFF  }
0x1d: {  	s27 =	simm.s32 $execute0_lowered;
	[smem:$0x3FD2] =	sst s26  }
0x1e: {  	s5 =	sshll.u32 s27, $0x1;
	_ =	strace $0x80000046;
	[dreg:$0x1] =	wrdreg $0xFFFFFFFF  }
0x1f: {  	s28 =	simm.s32 $_size_execute0_lowered;
	s3 =	sadd.s32 s3, s5;
	[dreg:$0x0] =	wrdreg $0x0  }
0x20: {  	s5 =	sshll.u32 s28, $0x1;
	[dreg:$0x2] =	wrdreg s3  }
0x21: {  	[dreg:$0x3] =	wrdreg s5  }
0x22: {  	[dreg:$0x4] =	wrdreg $0xC0  }
0x23: {  	_ =	task [dreg:s7], $0x5FFFF  }
0x24: {  	[dreg:$0x1] =	wrdreg $0xFFFFFFFF  }
0x25: {  	[dreg:$0x0] =	wrdreg $0x60  }
0x26: {  	[dreg:$0x2] =	wrdreg s2  }
0x27: {  	[dreg:$0x3] =	wrdreg s25  }
0x28: {  	[dreg:$0x4] =	wrdreg $0x9  }
0x29: {  	_ =	task.clear_ibuf [dreg:s7], $0x5FFFF;
	_ =	strace $0x90000046  }
0x2a: {  	s29 =	simm.s32 $0x9;
	_ =	strace $0x80000048  }
0x2b: {  	_ =	swait.ge [sflag:s29], $0x1  }
0x2c: {  	[sflag:s29] =	ssyncadd.s32 $0xFFFFFFFF  }
0x2d: {  	_ =	strace $0x90000048  }
0x2e: {  	_ =	sfence  }
0x2f: {  	s30 =	sld [smem:$0x0];
	_ =	sdelay $0x2  }
0x30: {  	s31 =	sshll.u32 s1, $0xD;
	s1 =	sshrl.u32 s1, $0x2  }
0x31: {  	s3 =	sand.u32 $0x4000, s31;
	s1 =	sadd.s32 s1, s30  }
0x32: {  	s0 =	sor.u32 s3, s0;
	s1 =	sshll.u32 s1, $0x11  }
0x33: {  	s0 =	sor.u32 s1, s0  }
0x34: {  	s0 =	sadd.s32 $0x8F2B, s0  }
0x35: {  	[sflag:s0] =	ssyncadd.remote.s32 $0x1  }
0x36: {  	_ =	sfence.sel $0xFFFF  }
0x37: {  	[dreg:$0x0] =	wrdreg $0xFFFFFFFF;
	(pc) =	sbr.abs _section_cstart, $3  }
0x38: {  	[dreg:$0x1] =	wrdreg $0xFFFFFFFF  }
0x39: {  	_ =	task.clear_ibuf [dreg:s7], $0x2FFFF;
	_ =	strace $0x9FFFFFFF  }
0x3a: {  	(tm) =	ssettm $0x7FFFFFFF  }
0x3b: {  	_ =	shalt  }
tec
execute0_lowered:
.L_overlay_start_1:
0x0: {  	(tag) =	ssettag $0x1  }
0x1: {  	s2 =	rddreg [dreg:$0x0]  }
0x2: {  	s0 =	rddreg [dreg:$0x1];
	_ =	strace $0x80000047  }
0x3: {  	s3 =	srdreg.scid;
	s1 =	stileid.u32;
	s6 =	simm.s32 $0x2  }
0x4: {  	s13 =	simm.s32 $0x0;
	p0 =	por $0x0, $0x0;
	s7 =	simm.s32 $0x1C00  }
.Ltmp0:
0x5: {  	s14 =	simm.s32 $0x0;
	s9 =	simm.s32 $0x0;
	(pc) =	sbr.rel .LBB1_1-.Ltmp0, $4  }
0x6: {  	s10 =	simm.s32 $0x0;
	s11 =	simm.s32 $0x0;
	s4 =	sshll.u32 s3, $0x4  }
0x7: {  	s8 =	simm.s32 $0x0;
	s3 =	simm.s32 $0x1;
	s5 =	sand.u32 $0x10, s4  }
0x8: {  	[sflag:s3] =	ssyncpa.u1 $0x0;
	s4 =	sadd.s32 $0x800, s0;
	s5 =	sor.u32 s1, s5  }
0x9: {  	[sflag:s6] =	ssyncpa.u1 $0x0;
	s6 =	simm.s32 $0x40;
	s12 =	smov.u32 s5  }
.LBB1_9:
0xa: {  	s0 =	sand.u32 $0x1FFFFFF, s9  }
0xb: {  	s1 =	smulhi.u32 $0x4924925, s0  }
0xc: {  	s16 =	smul.u32 $0x4100, s18  }
0xd: {  	s1 =	smul.u32 $0x38, s1  }
0xe: {  	s17 =	smul.u32 $0x2BC00, s10  }
0xf: {  	s30 =	smul.u32 $0x3200, s15;
	s0 =	ssub.s32 s0, s1  }
0x10: {  	s31 =	sadd.s32 s4, s17;
	s0 =	sshll.u32 s0, $0x4  }
0x11: {  	s16 =	sor.u32 $0x8000, s16;
	s1 =	sand.u32 $0x3FFFFE00, s30;
	s0 =	sadd.s32 s0, s31  }
0x12: {  	[hbm4b:s0+s6] =	stream.strided.scatter [tilespmem:s16], [sflag:$0x2], s1, s7, s6, $0x18;
	[tilespmem:$0x10200] =	vst v63  }
.LBB1_10:
0x13: {  	p1 =	slt.u32 s8, $0x2  }
0x14: {  	p2 =	sgt.s32 @!p1 s14, $0x3F  }
0x15: {  	s0 =	smov.u32 s14;
	s1 =	sshra.s32 @!p1 s14, $0x1F;
	p2 =	por !p2, p1  }
0x16: {  	s15 =	sshra.s32 @!p1 s13, $0x1F;
	s0 =	simm.s32 @p2 $0x3F;
	p2 =	sgt.s32 @!p1 s13, $0x37  }
0x17: {  	s1 =	sand.u32 @!p1 s1, s14;
	s14 =	smov.u32 s13;
	p2 =	por !p2, p1  }
0x18: {  	s0 =	ssub.s32 @!p1 s0, s1;
	s1 =	sand.u32 @!p1 s15, s13;
	s14 =	simm.s32 @p2 $0x37  }
0x19: {  	s13 =	sadd.s32 @!p1 $0xFFFFFFC1, s0;
	s1 =	ssub.s32 @!p1 s14, s1  }
0x1a: {  	s0 =	ssub.s32 @!p1 $0x40, s0;
	p2 =	sgt.s32 @!p1 s13, $0x0;
	s1 =	sadd.s32 @!p1 $0xFFFFFFC9, s1  }
0x1b: {  	s0 =	smul.u32 @!p1 $0xC8, s0;
	p3 =	sgt.s32 @!p1 s1, $0x0;
	s1 =	sshll.u32 @!p1 s1, $0x6  }
0x1c: {  	p2 =	por !p2, p1;
	s1 =	ssub.s32 @!p1 $0x40, s1;
	p3 =	por !p3, p1  }
0x1d: {  	s0 =	simm.s32 @!p2 $0x0;
	s1 =	simm.s32 @!p3 $0x0  }
0x1e: {  	s0 =	smul.u32 @!p1 s0, s1;
	s1 =	sadd.s32 $0x1, s11  }
0x1f: {  	s16 =	smov.u32 s12;
	s13 =	sadd.s32 $0x20, s12;
	p2 =	sgt.s32 s1, $0x37  }
0x20: {  	s16 =	smov.u32 @p2 s13  }
0x21: {  	s8 =	sadd.s32 $0x1, s8;
	s1 =	simm.s32 @p2 $0x0;
	p2 =	sgt.s32 s16, $0x3F  }
0x22: {  	s16 =	smov.u32 @p2 s5;
	p2 =	sne.s32 s8, $0x72  }
.Ltmp1:
0x23: {  	p0 =	por !p0, !p0;
	(pc) =	sbr.rel @!p2 .LBB1_11-.Ltmp1, $4  }
0x24: {  	s15 =	simm.s32 @!p1 $0x2;
	s14 =	smov.u32 s10;
	s0 =	sand.u32 @!p1 $0x3FFFFE00, s0  }
0x25: {  	s10 =	smov.u32 s12;
	s13 =	smov.u32 s9;
	_ =	swait.ge @!p1 [sflag:s15], s0  }
0x26: {  	s9 =	smov.u32 s11;
	s0 =	ssub.s32 @!p1 $0x0, s0;
	[sflag:s15] =	ssyncset.done @!p1 $0x0  }
0x27: {  	s11 =	smov.u32 s1;
	[sflag:s15] =	ssyncadd.s32 @!p1 s0;
	s12 =	smov.u32 s16  }
.LBB1_1:
0x28: {  	p1 =	sgt.u32 s8, $0x6F  }
0x29: {  	p2 =	sgt.s32 @!p1 s12, $0x3F  }
0x2a: {  	s0 =	smov.u32 s12;
	s16 =	smov.u32 s11;
	p2 =	por !p2, p1  }
0x2b: {  	s15 =	sshra.s32 @!p1 s12, $0x1F;
	s0 =	simm.s32 @p2 $0x3F;
	p2 =	sgt.s32 @!p1 s11, $0x37  }
0x2c: {  	s17 =	sshra.s32 @!p1 s11, $0x1F;
	s15 =	sand.u32 @!p1 s15, s12;
	p2 =	por !p2, p1  }
0x2d: {  	s17 =	sand.u32 @!p1 s17, s11;
	s0 =	ssub.s32 @!p1 s0, s15;
	s16 =	simm.s32 @p2 $0x37  }
0x2e: {  	s15 =	ssub.s32 @!p1 s16, s17;
	s16 =	sadd.s32 @!p1 $0xFFFFFFC1, s0  }
0x2f: {  	s0 =	ssub.s32 @!p1 $0x40, s0;
	s17 =	sadd.s32 @!p1 $0xFFFFFFC9, s15;
	p2 =	sgt.s32 @!p1 s16, $0x0  }
0x30: {  	s0 =	smul.u32 @!p1 $0xE000, s0;
	s15 =	ssub.s32 @!p1 $0x38, s15;
	p3 =	sgt.s32 @!p1 s17, $0x0  }
0x31: {  	s16 =	smul.u32 @!p1 $0x18800, s12;
	p2 =	por !p2, p1;
	p3 =	por !p3, p1  }
0x32: {  	s17 =	smul.u32 @!p1 $0x700, s11;
	s0 =	simm.s32 @!p2 $0x0;
	s15 =	simm.s32 @!p3 $0x0  }
0x33: {  	s16 =	sadd.s32 @!p1 s2, s16;
	s0 =	smul.u32 @!p1 s15, s0;
	s15 =	sxor.u32 @!p1 $0xFFFFFFFF, s8  }
0x34: {  	s16 =	sadd.s32 @!p1 s17, s16;
	s15 =	sshll.u32 @!p1 s15, $0xE  }
0x35: {  	s17 =	simm.s32 @!p1 $0x0;
	s15 =	sand.u32 @!p1 $0x4000, s15;
	s0 =	sshrl.u32 @!p1 s0, $0x2  }
0x36: {  	[tilespmem:s15], [sflag:$0x1] =	stream.linear.gather @!p1 [hbm4b:s16+s17], s0, $0x38;
	[tilespmem:$0x10200] =	vst v63  }
0x37: {  	p1 =	seq.s32 s8, $0x0  }
0x38: {  	p2 =	seq.s32 @!p1 s8, $0x71  }
0x39: {  	p1 =	por p1, p2  }
.Ltmp2:
0x3a: {  	_ = 	snop;
	(pc) =	sbr.rel @p1 .LBB1_10-.Ltmp2, $1  }
0x3b: {  	_ =	sdelay $0x3  }
0x3c: {  	p1 =	sgt.s32 s10, $0x3F  }
0x3d: {  	s0 =	smov.u32 s10;
	s15 =	sshra.s32 s10, $0x1F;
	s16 =	smov.u32 s9  }
0x3e: {  	s17 =	sshra.s32 s9, $0x1F;
	s0 =	simm.s32 @!p1 $0x3F;
	p1 =	sgt.s32 s9, $0x37  }
0x3f: {  	s15 =	sand.u32 s15, s10;
	s29 =	sand.u32 s17, s9;
	s16 =	simm.s32 @!p1 $0x37  }
0x40: {  	s0 =	ssub.s32 s0, s15;
	s15 =	ssub.s32 s16, s29  }
0x41: {  	s30 =	sadd.s32 $0xFFFFFFC1, s0;
	s0 =	ssub.s32 $0x40, s0;
	s16 =	sadd.s32 $0xFFFFFFC9, s15  }
0x42: {  	p1 =	sgt.s32 s30, $0x0;
	s15 =	ssub.s32 $0x38, s15;
	p2 =	sgt.s32 s16, $0x0  }
0x43: {  	s0 =	simm.s32 @p1 $0x0;
	s15 =	simm.s32 @p2 $0x0  }
0x44: {  	s15 =	smul.u32 s0, s15;
	s0 =	sadd.s32 $0x1, s10  }
0x45: {  	s17 =	sadd.s32 $0x1, s9;
	p1 =	slt.s32 s0, $0x40  }
0x46: {  	s0 =	simm.s32 @!p1 $0x40;
	p1 =	slt.s32 s17, $0x38  }
0x47: {  	s16 =	ssub.s32 s0, s10;
	s17 =	simm.s32 @!p1 $0x38  }
0x48: {  	s17 =	ssub.s32 s17, s9;
	p1 =	slt.s32 s16, $0x1  }
0x49: {  	p2 =	slt.s32 @!p1 s17, $0x1  }
0x4a: {  	s18 =	smul.u32 $0xE000, s15;
	p2 =	por p1, p2  }
.Ltmp3:
0x4b: {  	_ = 	snop;
	(pc) =	sbr.rel @p2 .LBB1_9-.Ltmp3, $4  }
0x4c: {  	s31 =	sshrl.u32 s18, $0x2  }
0x4d: {  	_ =	swait.ge [sflag:s3], s31  }
0x4e: {  	s0 =	ssub.s32 $0x0, s31;
	[sflag:s3] =	ssyncset.done $0x0  }
0x4f: {  	s18 =	sand.u32 $0x1, s8;
	[sflag:s3] =	ssyncadd.s32 s0  }
0x50: {  	s0 =	simm.s32 $0x1  }
0x51: {  	s0 =	simm.s32 @!p0 $0x0  }
0x52: {  	s0 =	smul.u32 $0x10400, s0;
	_ =	sdelay $0x1  }
0x53: {  	s0 =	sshrl.u32 s0, $0x2  }
0x54: {  	s20 =	sshll.u32 @!p1 s18, $0xE;
	s21 =	simm.s32 $0x0;
	s19 =	sor.u32 $0x8000, s0  }
.LBB1_4:
0x55: {  	s22 =	simm.s32 $0x0;
	s23 =	simm.s32 $0x0  }
.LBB1_5:
0x56: {  	s0 =	sadd.s32 s21, s23  }
0x57: {  	s25 =	simm.s32 $0x0;
	s0 =	sshll.u32 s0, $0xE  }
0x58: {  	s26 =	sand.u32 $0x3800, s25;
	s1 =	sand.u32 $0x380, s25;
	s24 =	sadd.s32 s0, s20;
	v1 =	vmov s0  }
0x59: {  	v0 =	vmov s24;
	s24 =	sor.u32 s1, s26  }
0x5a: {  	s0 =	sand.u32 $0x3B00, s24  }
0x5b: {  	s25 =	sand.u32 $0x80, s25;
	s0 =	sadd.s32 s0, s20  }
0x5c: {  	s1 =	sadd.s32 s25, s0  }
0x5d: {  	v9 =	vld.idx.msk [tilespmem:v1+s1+$0x400 ss:$0x1], $0xffff  }
0x5e: {  	v10 =	vld.idx.msk [tilespmem:v1+s1+$0x0 ss:$0x1], $0xffff  }
0x5f: {  	v11 =	vld.idx.msk [tilespmem:v1+s1+$0x10 ss:$0x1], $0xffff  }
0x60: {  	s26 =	sand.u32 $0x7, s22;
	v8 =	vld.idx.msk [tilespmem:v1+s1+$0x20 ss:$0x1], $0xffff  }
0x61: {  	s0 =	smul.u32 $0x104, s26;
	v6 =	vld.idx.msk [tilespmem:v1+s1+$0x30 ss:$0x1], $0xffff  }
0x62: {  	v7 =	vld.idx.msk [tilespmem:v1+s1+$0x40 ss:$0x1], $0xffff  }
0x63: {  	v5 =	vld.idx.msk [tilespmem:v1+s1+$0x50 ss:$0x1], $0xffff;
	s0 =	sshrl.u32 s0, $0x2  }
0x64: {  	v2 =	vld.idx.msk [tilespmem:v0+s24+$0x410 ss:$0x1], $0xffff;
	s25 =	sadd.s32 s0, s19  }
0x65: {  	v3 =	vld.idx.msk [tilespmem:v0+s24+$0x420 ss:$0x1], $0xffff;
	s26 =	sadd.s32 $0x0, s25  }
0x66: {  	v4 =	vld.idx.msk [tilespmem:v0+s24+$0x430 ss:$0x1], $0xffff;
	[tilespmem:s26+$0x2080 ss:$0x41] =	vst.msk $0xffff, v9  }
0x67: {  	s27 =	simm.s32 $0x4;
	s28 =	simm.s32 $0x80;
	s29 =	simm.s32 $0x100;
	[tilespmem:s26+$0x0 ss:$0x41] =	vst.msk $0xffff, v10;
	v9 =	vld.idx.msk [tilespmem:v1+s1+$0x60 ss:$0x1], $0xffff  }
0x68: {  	s30 =	simm.s32 $0x8;
	s31 =	sand.u32 $0x3800, s29;
	s0 =	sand.u32 $0x380, s28;
	[tilespmem:s26+$0x410 ss:$0x41] =	vst.msk $0xffff, v11;
	v10 =	vld.idx.msk [tilespmem:v1+s1+$0x70 ss:$0x1], $0xffff  }
.LBB1_6:
0x69: {  	p1 =	sne.s32 s30, $0xDC;
	[tilespmem:s26+$0x820 ss:$0x41] =	vst.msk $0xffff, v8;
	v11 =	vld.idx.msk [tilespmem:v0+s24+$0x440 ss:$0x1], $0xffff;
	s24 =	sor.u32 s0, s31  }
0x6a: {  	s0 =	sand.u32 $0x3B00, s24;
	v12 =	vld.idx.msk [tilespmem:v0+s24+$0x410 ss:$0x1], $0xffff;
	[tilespmem:s26+$0xC30 ss:$0x41] =	vst.msk $0xffff, v6  }
0x6b: {  	s1 =	sand.u32 $0x80, s28;
	s0 =	sadd.s32 s0, s20;
	v13 =	vld.idx.msk [tilespmem:v0+s24+$0x420 ss:$0x1], $0xffff;
	[tilespmem:s26+$0x1040 ss:$0x41] =	vst.msk $0xffff, v7  }
0x6c: {  	s1 =	sadd.s32 s1, s0;
	v14 =	vld.idx.msk [tilespmem:v0+s24+$0x430 ss:$0x1], $0xffff;
	[tilespmem:s26+$0x1450 ss:$0x41] =	vst.msk $0xffff, v5  }
0x6d: {  	v15 =	vld.idx.msk [tilespmem:v1+s1+$0x400 ss:$0x1], $0xffff;
	[tilespmem:s26+$0x1860 ss:$0x41] =	vst.msk $0xffff, v9  }
0x6e: {  	v9 =	vld.idx.msk [tilespmem:v1+s1+$0x0 ss:$0x1], $0xffff;
	[tilespmem:s26+$0x1C70 ss:$0x41] =	vst.msk $0xffff, v10  }
0x6f: {  	v10 =	vld.idx.msk [tilespmem:v1+s1+$0x10 ss:$0x1], $0xffff;
	[tilespmem:s26+$0x2490 ss:$0x41] =	vst.msk $0xffff, v2  }
0x70: {  	v2 =	vmov v12;
	v8 =	vld.idx.msk [tilespmem:v1+s1+$0x20 ss:$0x1], $0xffff;
	[tilespmem:s26+$0x28A0 ss:$0x41] =	vst.msk $0xffff, v3  }
.Ltmp4:
0x71: {  	s0 =	sshra.s32 s27, $0x2;
	s27 =	smov.u32 s30;
	v3 =	vmov v13;
	v6 =	vld.idx.msk [tilespmem:v1+s1+$0x30 ss:$0x1], $0xffff;
	[tilespmem:s26+$0x2CB0 ss:$0x41] =	vst.msk $0xffff, v4;
	(pc) =	sbr.rel @p1 .LBB1_6-.Ltmp4, $4  }
0x72: {  	v4 =	vmov v14;
	v7 =	vld.idx.msk [tilespmem:v1+s1+$0x40 ss:$0x1], $0xffff;
	[tilespmem:s26+$0x30C0 ss:$0x41] =	vst.msk $0xffff, v11;
	s26 =	sadd.s32 s0, s25  }
0x73: {  	v5 =	vld.idx.msk [tilespmem:v1+s1+$0x50 ss:$0x1], $0xffff;
	[tilespmem:s26+$0x2080 ss:$0x41] =	vst.msk $0xffff, v15  }
0x74: {  	s28 =	sadd.s32 $0x80, s28;
	s29 =	sadd.s32 $0x100, s29;
	[tilespmem:s26+$0x0 ss:$0x41] =	vst.msk $0xffff, v9;
	v9 =	vld.idx.msk [tilespmem:v1+s1+$0x60 ss:$0x1], $0xffff  }
0x75: {  	s31 =	sand.u32 $0x3800, s29;
	s30 =	sadd.s32 $0x4, s30;
	s0 =	sand.u32 $0x380, s28;
	[tilespmem:s26+$0x410 ss:$0x41] =	vst.msk $0xffff, v10;
	v10 =	vld.idx.msk [tilespmem:v1+s1+$0x70 ss:$0x1], $0xffff  }
0x76: {  	[tilespmem:s26+$0x820 ss:$0x41] =	vst.msk $0xffff, v8  }
0x77: {  	[tilespmem:s26+$0xC30 ss:$0x41] =	vst.msk $0xffff, v6  }
0x78: {  	[tilespmem:s26+$0x2490 ss:$0x41] =	vst.msk $0xffff, v2  }
0x79: {  	[tilespmem:s26+$0x28A0 ss:$0x41] =	vst.msk $0xffff, v3  }
0x7a: {  	s0 =	sor.u32 s0, s31;
	v50 =	vld.idx.msk [tilespmem:v0+s24+$0x440 ss:$0x1], $0xffff;
	[tilespmem:s26+$0x2CB0 ss:$0x41] =	vst.msk $0xffff, v4  }
0x7b: {  	[tilespmem:s26+$0x1040 ss:$0x41] =	vst.msk $0xffff, v7;
	v60 =	vld.idx.msk [tilespmem:v0+s0+$0x410 ss:$0x1], $0xffff  }
0x7c: {  	s1 =	sand.u32 $0x3B00, s0;
	v61 =	vld.idx.msk [tilespmem:v0+s0+$0x420 ss:$0x1], $0xffff;
	[tilespmem:s26+$0x1450 ss:$0x41] =	vst.msk $0xffff, v5  }
0x7d: {  	s28 =	sand.u32 $0x80, s28;
	v62 =	vld.idx.msk [tilespmem:v0+s0+$0x430 ss:$0x1], $0xffff;
	s1 =	sadd.s32 s1, s20;
	[tilespmem:s26+$0x1860 ss:$0x41] =	vst.msk $0xffff, v9  }
0x7e: {  	s31 =	sshra.s32 s27, $0x2;
	v63 =	vld.idx.msk [tilespmem:v0+s0+$0x440 ss:$0x1], $0xffff;
	s1 =	sadd.s32 s28, s1;
	[tilespmem:s26+$0x1C70 ss:$0x41] =	vst.msk $0xffff, v10  }
0x7f: {  	s24 =	sadd.s32 s31, s25;
	v51 =	vld.idx.msk [tilespmem:v1+s1+$0x400 ss:$0x1], $0xffff;
	[tilespmem:s26+$0x30C0 ss:$0x41] =	vst.msk $0xffff, v50  }
0x80: {  	v52 =	vld.idx.msk [tilespmem:v1+s1+$0x0 ss:$0x1], $0xffff;
	[tilespmem:s24+$0x2490 ss:$0x41] =	vst.msk $0xffff, v60  }
0x81: {  	v53 =	vld.idx.msk [tilespmem:v1+s1+$0x10 ss:$0x1], $0xffff;
	[tilespmem:s24+$0x28A0 ss:$0x41] =	vst.msk $0xffff, v61  }
0x82: {  	v54 =	vld.idx.msk [tilespmem:v1+s1+$0x20 ss:$0x1], $0xffff;
	[tilespmem:s24+$0x2CB0 ss:$0x41] =	vst.msk $0xffff, v62  }
0x83: {  	v55 =	vld.idx.msk [tilespmem:v1+s1+$0x30 ss:$0x1], $0xffff;
	[tilespmem:s24+$0x30C0 ss:$0x41] =	vst.msk $0xffff, v63  }
0x84: {  	v56 =	vld.idx.msk [tilespmem:v1+s1+$0x40 ss:$0x1], $0xffff;
	[tilespmem:s24+$0x2080 ss:$0x41] =	vst.msk $0xffff, v51  }
0x85: {  	v57 =	vld.idx.msk [tilespmem:v1+s1+$0x50 ss:$0x1], $0xffff;
	[tilespmem:s24+$0x0 ss:$0x41] =	vst.msk $0xffff, v52  }
0x86: {  	s23 =	sadd.s32 $0x1, s23;
	v58 =	vld.idx.msk [tilespmem:v1+s1+$0x60 ss:$0x1], $0xffff;
	[tilespmem:s24+$0x410 ss:$0x41] =	vst.msk $0xffff, v53  }
0x87: {  	p1 =	sne.s32 s23, s17;
	v59 =	vld.idx.msk [tilespmem:v1+s1+$0x70 ss:$0x1], $0xffff;
	[tilespmem:s24+$0x820 ss:$0x41] =	vst.msk $0xffff, v54  }
.Ltmp5:
0x88: {  	[tilespmem:s24+$0xC30 ss:$0x41] =	vst.msk $0xffff, v55;
	(pc) =	sbr.rel @p1 .LBB1_5-.Ltmp5, $4  }
0x89: {  	[tilespmem:s24+$0x1040 ss:$0x41] =	vst.msk $0xffff, v56  }
0x8a: {  	[tilespmem:s24+$0x1450 ss:$0x41] =	vst.msk $0xffff, v57  }
0x8b: {  	[tilespmem:s24+$0x1860 ss:$0x41] =	vst.msk $0xffff, v58  }
0x8c: {  	s22 =	sadd.s32 $0x1, s22;
	[tilespmem:s24+$0x1C70 ss:$0x41] =	vst.msk $0xffff, v59  }
0x8d: {  	s21 =	sadd.s32 $0x1, s21  }
0x8e: {  	p1 =	sne.s32 s21, s16  }
.Ltmp6:
0x8f: {  	_ = 	snop;
	(pc) =	sbr.rel @p1 .LBB1_4-.Ltmp6, $4  }
.Ltmp7:
0x90: {  	_ = 	snop;
	(pc) =	sbr.rel @!p1 .LBB1_9-.Ltmp7, $4  }
0x91: {  	_ = 	snop  }
0x92: {  	_ = 	snop  }
0x93: {  	s19 =	sadd.s32 $0x4100, s19  }
0x94: {  	_ = 	snop  }
.LBB1_11:
0x95: {  	_ =	sfence.sel $0x180000  }
0x96: {  	s0 =	simm.s32 $0x1;
	[bflag:$0x0] =	sbarrier.arrive $0xFFFF  }
0x97: {  	s30 =	simm.s32 $0x2;
	[sflag:s0] =	ssyncpa.u1 $0x1  }
0x98: {  	[sflag:s30] =	ssyncpa.u1 $0x1  }
0x99: {  	_ =	strace $0x90000047  }
0x9a: {  	s31 =	stileid.u32;
	[bflag:$0x2] =	sbarrier.arrive $0xFFFF  }
0x9b: {  	p0 =	sne.s32 s31, $0x0;
	s0 =	rddreg [dreg:$0x2]  }
0x9c: {  	s0 =	sadd.s32 @!p0 $0x100000, s0  }
0x9d: {  	[sflag:s0] =	ssyncadd.tile.s32 @!p0 $0x1;
	_ =	shalt  }
.Lfunc_end1:
_tile_overlayer_lowered:
.L_overlay_start_2:
0x9e: {  	(tag) =	ssettag $0x2  }
0x9f: {  	s0 =	rddreg [dreg:$0x0];
	s2 =	stileid.u32  }
0xa0: {  	s1 =	rddreg [dreg:$0x1];
	p0 =	sne.s32 s2, $0x0  }
0xa1: {  	s3 =	rddreg [dreg:$0x2];
	[bflag:$0x3] =	sbarrier.arrive $0xFFFF;
	s2 =	simm.s32 @!p0 $0x1C01  }
0xa2: {  	[timem:s3], [sflag:s2] =	dma.local @!p0 [hbm:s0], s1  }
0xa3: {  	s0 =	simm.s32 @!p0 $0x1  }
0xa4: {  	_ =	swait.ge @!p0 [sflag:s0], s1  }
0xa5: {  	s1 =	ssub.s32 @!p0 $0x0, s1;
	[sflag:s0] =	ssyncset.done @!p0 $0x0  }
0xa6: {  	[sflag:s0] =	ssyncadd.s32 @!p0 s1  }
0xa7: {  	[bflag:$0x3] =	sbarrier.arrive $0xFFFF  }
0xa8: {  	_ =	shalt  }

// kernel: sparse-core-data-format-call.cloned.1.call-start
scs
called_computation_lowered:
.L_overlay_start_0:
0x0: {  	s2 =	sld [smem:$0x3FD9]  }
0x1: {  	s3 =	sld [smem:$0x3FFE];
	_ =	sdelay $0x1  }
0x2: {  	s1 =	srdreg.scid  }
0x3: {  	s0 =	sand.u32 $0x1, s1  }
0x4: {  	s18 =	sshll.u32 s0, $0xA;
	s2 =	sadd.s32 s3, s2  }
0x5: {  	s2 =	sadd.s32 s2, s18  }
0x6: {  	[smem:$0x3FC7] =	sst s2  }
0x7: {  	_ = 	snop  }
0x8: {  	s2 =	sld [smem:$0x3FD0];
	(tm) =	ssettm $0x1  }
0x9: {  	s19 =	sld [smem:$0x3FFB];
	_ =	sdelay $0x3  }
0xa: {  	_ =	strace s19  }
0xb: {  	s3 =	sld [smem:$0x3FFC];
	_ =	sdelay $0x3  }
0xc: {  	_ =	strace s3  }
0xd: {  	s3 =	sld [smem:$0x3FFD];
	_ =	sdelay $0x3  }
0xe: {  	_ =	strace s3  }
0xf: {  	_ =	strace $0x8FFFFFFF  }
0x10: {  	s20 =	sld [smem:$0x3FDB];
	_ =	sdelay $0x1  }
0x11: {  	s4 =	simm.s32 $_scs_section_size  }
0x12: {  	s5 =	simm.s32 $_size__tile_overlayer_lowered;
	s6 =	simm.s32 $_tile_overlayer_lowered  }
0x13: {  	s23 =	simm.s32 $0x1BFF;
	s22 =	sshll.u32 s6, $0x1;
	s3 =	sadd.s32 s4, s20  }
0x14: {  	s7 =	simm.s32 $0x0;
	s21 =	sshll.u32 s5, $0x1;
	s5 =	sadd.s32 s22, s3  }
0x15: {  	[timem:s7], [sflag:s23] =	dma.local [hbm:s5], s21  }
0x16: {  	_ =	swait.ge [sflag:s23], s21  }
0x17: {  	s4 =	ssub.s32 $0x0, s21;
	[sflag:s23] =	ssyncset.done $0x0  }
0x18: {  	[sflag:s23] =	ssyncadd.s32 s4;
	_ =	sdelay $0x1  }
0x19: {  	s24 =	simm.s32 $0x1B8B  }
0x1a: {  	_ =	swait.ge [sflag:s24], $0x1  }
0x1b: {  	[sflag:s24] =	ssyncset.done $0x0  }
0x1c: {  	s26 =	simm.s32 $0x1B8E;
	s25 =	sld [smem:$0x3FFE];
	[sflag:s24] =	ssyncadd.s32 $0xFFFFFFFF  }
0x1d: {  	s27 =	simm.s32 $execute0_lowered;
	[smem:$0x3FD2] =	sst s26  }
0x1e: {  	s5 =	sshll.u32 s27, $0x1;
	_ =	strace $0x80000049;
	[dreg:$0x1] =	wrdreg $0xFFFFFFFF  }
0x1f: {  	s28 =	simm.s32 $_size_execute0_lowered;
	s3 =	sadd.s32 s3, s5;
	[dreg:$0x0] =	wrdreg $0x0  }
0x20: {  	s5 =	sshll.u32 s28, $0x1;
	[dreg:$0x2] =	wrdreg s3  }
0x21: {  	[dreg:$0x3] =	wrdreg s5  }
0x22: {  	[dreg:$0x4] =	wrdreg $0xC0  }
0x23: {  	_ =	task [dreg:s7], $0x5FFFF  }
0x24: {  	[dreg:$0x1] =	wrdreg $0xFFFFFFFF  }
0x25: {  	[dreg:$0x0] =	wrdreg $0x60  }
0x26: {  	[dreg:$0x2] =	wrdreg s25  }
0x27: {  	[dreg:$0x3] =	wrdreg s2  }
0x28: {  	[dreg:$0x4] =	wrdreg $0x9  }
0x29: {  	_ =	task.clear_ibuf [dreg:s7], $0x5FFFF;
	_ =	strace $0x90000049  }
0x2a: {  	s29 =	simm.s32 $0x9;
	_ =	strace $0x8000004B  }
0x2b: {  	_ =	swait.ge [sflag:s29], $0x1  }
0x2c: {  	[sflag:s29] =	ssyncadd.s32 $0xFFFFFFFF  }
0x2d: {  	_ =	strace $0x9000004B  }
0x2e: {  	_ =	sfence  }
0x2f: {  	s30 =	sld [smem:$0x0];
	_ =	sdelay $0x2  }
0x30: {  	s31 =	sshll.u32 s1, $0xD;
	s1 =	sshrl.u32 s1, $0x2  }
0x31: {  	s3 =	sand.u32 $0x4000, s31;
	s1 =	sadd.s32 s1, s30  }
0x32: {  	s0 =	sor.u32 s3, s0;
	s1 =	sshll.u32 s1, $0x11  }
0x33: {  	s0 =	sor.u32 s1, s0  }
0x34: {  	s0 =	sadd.s32 $0x8F2B, s0  }
0x35: {  	[sflag:s0] =	ssyncadd.remote.s32 $0x1  }
0x36: {  	_ =	sfence.sel $0xFFFF  }
0x37: {  	[dreg:$0x0] =	wrdreg $0xFFFFFFFF;
	(pc) =	sbr.abs _section_cstart, $3  }
0x38: {  	[dreg:$0x1] =	wrdreg $0xFFFFFFFF  }
0x39: {  	_ =	task.clear_ibuf [dreg:s7], $0x2FFFF;
	_ =	strace $0x9FFFFFFF  }
0x3a: {  	(tm) =	ssettm $0x7FFFFFFF  }
0x3b: {  	_ =	shalt  }
tec
execute0_lowered:
.L_overlay_start_1:
0x0: {  	(tag) =	ssettag $0x1  }
0x1: {  	s0 =	rddreg [dreg:$0x0];
	s1 =	srdreg.scid  }
0x2: {  	_ =	strace $0x8000004A;
	s30 =	stileid.u32;
	s2 =	simm.s32 $0x1  }
0x3: {  	s31 =	simm.s32 $0x2;
	s17 =	simm.s32 $0x0;
	p0 =	por $0x0, $0x0  }
0x4: {  	s15 =	simm.s32 $0x0;
	s16 =	simm.s32 $0x0;
	s14 =	simm.s32 $0x0  }
.Ltmp0:
0x5: {  	s9 =	simm.s32 $0x0;
	s10 =	simm.s32 $0x0;
	(pc) =	sbr.rel .LBB1_1-.Ltmp0, $4  }
0x6: {  	s11 =	simm.s32 $0x0;
	s12 =	simm.s32 $0x0;
	s29 =	sshll.u32 s1, $0x4  }
0x7: {  	s8 =	simm.s32 $0x0;
	s6 =	sadd.s32 $0x4E2800, s0;
	s0 =	sand.u32 $0x10, s29  }
0x8: {  	[sflag:s2] =	ssyncpa.u1 $0x0;
	[dreg:$0x3] =	wrdreg s6;
	s7 =	sor.u32 s30, s0  }
0x9: {  	[sflag:s31] =	ssyncpa.u1 $0x0;
	s13 =	smov.u32 s7;
	[dreg:$0x4] =	wrdreg s7  }
.LBB1_13:
0xa: {  	s1 =	rddreg [dreg:$0x9]  }
0xb: {  	s25 =	rddreg [dreg:$0xa]  }
0xc: {  	p1 =	sgt.s32 s9, $0x80;
	s0 =	smov.u32 s9;
	s3 =	rddreg [dreg:$0x7]  }
0xd: {  	s2 =	sshrl.u32 s9, $0x5;
	s4 =	rddreg [dreg:$0x8];
	s0 =	simm.s32 @!p1 $0x80  }
0xe: {  	s27 =	smul.u32 $0x18800, s10;
	s14 =	rddreg [dreg:$0x5];
	s0 =	sadd.s32 s1, s0  }
0xf: {  	s2 =	sand.u32 $0xFFFFFC, s2;
	s28 =	smul.u32 $0x700, s14;
	s1 =	sadd.s32 $0xFFFFFF80, s0  }
0x10: {  	s26 =	smulhi.u32 $0x4924925, s2;
	s0 =	ssub.s32 $0x100, s0;
	p1 =	sgt.s32 s1, $0x7F  }
0x11: {  	s5 =	sshrl.u32 s9, $0x3;
	s1 =	smul.u32 $0x2040, s25;
	s0 =	simm.s32 @p1 $0x0  }
0x12: {  	s6 =	rddreg [dreg:$0x1];
	s29 =	sand.u32 $0x7, s9;
	s0 =	smul.u32 s0, s3  }
0x13: {  	s31 =	simm.s32 $0x800;
	s7 =	rddreg [dreg:$0x4];
	s3 =	smul.u32 $0x38, s26  }
0x14: {  	s17 =	rddreg [dreg:$0x6];
	s5 =	sand.u32 $0xF, s5;
	s0 =	smul.u32 s4, s0  }
0x15: {  	s1 =	sor.u32 $0x4000, s1;
	s2 =	ssub.s32 s2, s3;
	s4 =	sadd.s32 s6, s27  }
0x16: {  	s6 =	rddreg [dreg:$0x3];
	s3 =	sadd.s32 s28, s4;
	s0 =	smul.u32 $0x38, s0  }
0x17: {  	s2 =	sshll.u32 s2, $0x5;
	s4 =	sshll.u32 s29, $0x12;
	s3 =	sadd.s32 s5, s3  }
0x18: {  	s30 =	sor.u32 $0x400, s4;
	s2 =	sadd.s32 s2, s3;
	s0 =	sand.u32 $0x3FFFFFF8, s0  }
0x19: {  	[hbm4b:s2+s30] =	stream.strided.scatter [tilespmem:s1], [sflag:$0x2], s0, s31, s30, $0x20;
	[tilespmem:$0x8080] =	vst v63  }
.LBB1_14:
0x1a: {  	p1 =	slt.u32 s8, $0x2  }
0x1b: {  	p2 =	sgt.s32 @!p1 s16, $0x3F  }
0x1c: {  	s0 =	smov.u32 s16;
	s1 =	sshra.s32 @!p1 s16, $0x1F;
	p2 =	por !p2, p1  }
0x1d: {  	s1 =	sand.u32 @!p1 s1, s16;
	s0 =	simm.s32 @p2 $0x3F  }
0x1e: {  	s0 =	ssub.s32 @!p1 s0, s1  }
0x1f: {  	s3 =	smov.u32 s17;
	p3 =	sgt.s32 @!p1 s15, $0x80;
	s1 =	sadd.s32 @!p1 $0xFFFFFFC1, s0  }
0x20: {  	p3 =	por !p3, p1;
	p2 =	sgt.s32 @!p1 s1, $0x0;
	s1 =	smov.u32 s15  }
0x21: {  	s2 =	sshra.s32 @!p1 s15, $0x1F;
	s1 =	simm.s32 @p3 $0x80;
	p3 =	sgt.s32 @!p1 s17, $0x37  }
0x22: {  	s4 =	sshra.s32 @!p1 s17, $0x1F;
	s2 =	sand.u32 @!p1 s2, s15;
	p3 =	por !p3, p1  }
0x23: {  	s4 =	sand.u32 @!p1 s4, s17;
	s1 =	ssub.s32 @!p1 s1, s2;
	s3 =	simm.s32 @p3 $0x37  }
0x24: {  	s0 =	ssub.s32 @!p1 $0x40, s0;
	s2 =	ssub.s32 @!p1 s3, s4;
	s3 =	sadd.s32 @!p1 $0xFFFFFF80, s1  }
0x25: {  	s0 =	smul.u32 @!p1 $0x38, s0;
	p2 =	por !p2, p1;
	p3 =	sgt.s32 @!p1 s3, $0x7F  }
0x26: {  	s1 =	ssub.s32 @!p1 $0x100, s1;
	s4 =	sadd.s32 @!p1 $0xFFFFFFC9, s2;
	p3 =	por !p3, p1  }
0x27: {  	s0 =	simm.s32 @!p2 $0x0;
	s1 =	simm.s32 @!p3 $0x0;
	p3 =	sgt.s32 @!p1 s4, $0x0  }
0x28: {  	s2 =	ssub.s32 @!p1 $0x38, s2;
	p2 =	por !p3, p1;
	s0 =	smul.u32 @!p1 s1, s0  }
0x29: {  	s3 =	smov.u32 s12;
	s1 =	sadd.s32 $0x1, s11;
	s2 =	simm.s32 @!p2 $0x0  }
0x2a: {  	p2 =	sgt.s32 s1, $0x37;
	s0 =	smul.u32 @!p1 s2, s0;
	s2 =	sadd.s32 $0x80, s12  }
0x2b: {  	s3 =	smov.u32 @p2 s2  }
0x2c: {  	s5 =	smov.u32 s13;
	s2 =	sadd.s32 $0x20, s13;
	p3 =	sgt.s32 s3, $0xC7  }
0x2d: {  	s8 =	sadd.s32 $0x1, s8;
	p0 =	por !p0, !p0;
	s5 =	smov.u32 @p3 s2  }
0x2e: {  	s16 =	smov.u32 s10;
	s1 =	simm.s32 @p2 $0x0;
	p2 =	sgt.s32 s5, $0x3F  }
0x2f: {  	s10 =	smov.u32 s13;
	s5 =	smov.u32 @p2 s7;
	p2 =	sne.s32 s8, $0xE2  }
.Ltmp1:
0x30: {  	s15 =	smov.u32 s9;
	s9 =	smov.u32 s12;
	(pc) =	sbr.rel @!p2 .LBB1_15-.Ltmp1, $4  }
0x31: {  	s17 =	smov.u32 s14;
	s4 =	simm.s32 @!p1 $0x2;
	s0 =	sand.u32 @!p1 $0x3FFFFFF8, s0  }
0x32: {  	s14 =	smov.u32 s11;
	s11 =	smov.u32 s1;
	_ =	swait.ge @!p1 [sflag:s4], s0  }
0x33: {  	s0 =	ssub.s32 @!p1 $0x0, s0;
	s3 =	simm.s32 @p3 $0x0;
	[sflag:s4] =	ssyncset.done @!p1 $0x0  }
0x34: {  	s12 =	smov.u32 s3;
	[sflag:s4] =	ssyncadd.s32 @!p1 s0;
	s13 =	smov.u32 s5  }
.LBB1_1:
0x35: {  	p1 =	sgt.u32 s8, $0xDF  }
0x36: {  	s1 =	smov.u32 s13;
	s4 =	smov.u32 s12;
	p2 =	sgt.s32 @!p1 s13, $0x3F  }
0x37: {  	s0 =	sand.u32 @!p1 $0x1FFFFFF, s11;
	s3 =	sshra.s32 @!p1 s13, $0x1F;
	p2 =	por !p2, p1  }
0x38: {  	s5 =	sshra.s32 @!p1 s12, $0x1F;
	s1 =	simm.s32 @p2 $0x3F;
	p2 =	sgt.s32 @!p1 s12, $0x48  }
0x39: {  	s2 =	smulhi.u32 @!p1 $0x4924925, s0;
	s3 =	sand.u32 @!p1 s3, s13;
	p2 =	por !p2, p1  }
0x3a: {  	s5 =	sand.u32 @!p1 s5, s12;
	s1 =	ssub.s32 @!p1 s1, s3;
	s4 =	simm.s32 @p2 $0x48  }
0x3b: {  	p2 =	sgt.s32 @!p1 s11, $0x37;
	s1 =	sadd.s32 @!p1 $0xFFFFFFC1, s1;
	s3 =	ssub.s32 @!p1 s4, s5  }
0x3c: {  	p2 =	por !p2, p1;
	s5 =	smov.u32 s11;
	s4 =	sadd.s32 @!p1 $0xFFFFFFB8, s3  }
0x3d: {  	s5 =	simm.s32 @p2 $0x37;
	p3 =	sgt.s32 @!p1 s4, $0x7F;
	s4 =	sshra.s32 @!p1 s11, $0x1F  }
0x3e: {  	p2 =	sgt.s32 @!p1 s1, $0x0;
	s1 =	sshll.u32 @!p1 s1, $0x6;
	s4 =	sand.u32 @!p1 s4, s11  }
0x3f: {  	s3 =	ssub.s32 @!p1 $0xC8, s3;
	s1 =	ssub.s32 @!p1 $0x40, s1;
	s4 =	ssub.s32 @!p1 s5, s4  }
0x40: {  	p2 =	por !p2, p1;
	p3 =	por !p3, p1;
	s5 =	sadd.s32 @!p1 $0xFFFFFFC9, s4  }
0x41: {  	s1 =	simm.s32 @!p2 $0x0;
	s3 =	simm.s32 @!p3 $0x0;
	p3 =	sgt.s32 @!p1 s5, $0x0  }
0x42: {  	s4 =	ssub.s32 @!p1 $0x38, s4;
	s1 =	smul.u32 @!p1 s3, s1;
	p2 =	por !p3, p1  }
0x43: {  	s2 =	smul.u32 @!p1 $0x38, s2;
	s4 =	simm.s32 @!p2 $0x0  }
0x44: {  	s1 =	smul.u32 @!p1 s4, s1  }
0x45: {  	s4 =	smul.u32 @!p1 $0x2BC00, s13  }
0x46: {  	s0 =	ssub.s32 @!p1 s0, s2;
	s3 =	sxor.u32 @!p1 $0xFFFFFFFF, s8;
	s5 =	smul.u32 @!p1 $0x380, s12  }
0x47: {  	s0 =	sshll.u32 @!p1 s0, $0x4;
	s3 =	sshll.u32 @!p1 s3, $0xD;
	s2 =	sadd.s32 @!p1 s6, s4  }
0x48: {  	s3 =	sand.u32 @!p1 $0x2000, s3;
	s1 =	sand.u32 @!p1 $0x3FFFFFC0, s1;
	s2 =	sadd.s32 @!p1 s5, s2  }
0x49: {  	s4 =	simm.s32 @!p1 $0x1C00;
	s0 =	sadd.s32 @!p1 s0, s2;
	s2 =	simm.s32 @!p1 $0x40  }
0x4a: {  	[tilespmem:s3], [sflag:$0x1] =	stream.strided.gather @!p1 [hbm4b:s0+s2], s1, s4, s2, $0x38;
	[tilespmem:$0x8080] =	vst v63  }
0x4b: {  	p1 =	seq.s32 s8, $0x0  }
0x4c: {  	p2 =	seq.s32 @!p1 s8, $0xE1  }
0x4d: {  	p1 =	por p1, p2  }
.Ltmp2:
0x4e: {  	_ = 	snop;
	(pc) =	sbr.rel @p1 .LBB1_14-.Ltmp2, $1  }
0x4f: {  	_ =	sdelay $0x3  }
0x50: {  	p1 =	sgt.s32 s10, $0x3F  }
0x51: {  	s0 =	smov.u32 s10;
	s1 =	sshra.s32 s10, $0x1F;
	s25 =	ssub.s32 $0x0, s9  }
0x52: {  	s2 =	sshra.s32 s9, $0x1F;
	p2 =	sgt.s32 s14, $0x37;
	s3 =	smov.u32 s14  }
0x53: {  	s4 =	sshra.s32 s14, $0x1F;
	p3 =	sgt.s32 s9, $0x48;
	s5 =	smov.u32 s9  }
0x54: {  	s0 =	simm.s32 @!p1 $0x3F;
	s1 =	sand.u32 s1, s10;
	s3 =	simm.s32 @!p2 $0x37  }
0x55: {  	s4 =	sand.u32 s4, s14;
	s2 =	sand.u32 s25, s2;
	s5 =	simm.s32 @!p3 $0x48  }
0x56: {  	s0 =	ssub.s32 s0, s1;
	s26 =	ssub.s32 s3, s4;
	[dreg:$0x9] =	wrdreg s2  }
0x57: {  	s27 =	sadd.s32 s2, s5;
	s2 =	sadd.s32 $0x1, s10;
	s1 =	sadd.s32 $0xFFFFFFC1, s0  }
0x58: {  	s4 =	ssub.s32 $0x40, s0;
	s28 =	sadd.s32 $0xFFFFFFC9, s26;
	s29 =	sadd.s32 $0xFFFFFFB8, s27  }
0x59: {  	p1 =	sgt.s32 s1, $0x0;
	p2 =	sgt.s32 s28, $0x0;
	s1 =	ssub.s32 $0x38, s26  }
0x5a: {  	s0 =	ssub.s32 $0xC8, s27;
	s4 =	simm.s32 @p1 $0x0;
	s1 =	simm.s32 @p2 $0x0  }
0x5b: {  	p1 =	sgt.s32 s29, $0x7F;
	[dreg:$0x8] =	wrdreg s1;
	s1 =	smul.u32 s4, s1  }
0x5c: {  	s3 =	sadd.s32 $0x80, s9;
	s0 =	simm.s32 @p1 $0x0;
	p1 =	slt.s32 s2, $0x40  }
0x5d: {  	s2 =	simm.s32 @!p1 $0x40;
	p1 =	slt.s32 s3, $0xC8;
	s0 =	smul.u32 s0, s1  }
0x5e: {  	s20 =	ssub.s32 s2, s10;
	s3 =	simm.s32 @!p1 $0xC8;
	s1 =	sadd.s32 $0x1, s14  }
0x5f: {  	s21 =	ssub.s32 s3, s9;
	p2 =	slt.s32 s1, $0x38;
	p1 =	slt.s32 s20, $0x1  }
0x60: {  	s1 =	simm.s32 @!p2 $0x38;
	p2 =	slt.s32 @!p1 s21, $0x1  }
0x61: {  	s23 =	ssub.s32 s1, s14;
	p2 =	por p1, p2  }
0x62: {  	p3 =	slt.s32 @!p2 s23, $0x1  }
0x63: {  	[dreg:$0x6] =	wrdreg s17;
	p2 =	por p2, p3  }
.Ltmp3:
0x64: {  	[dreg:$0x5] =	wrdreg s14;
	s0 =	sshll.u32 s0, $0x6;
	(pc) =	sbr.rel @p2 .LBB1_13-.Ltmp3, $4  }
0x65: {  	s30 =	simm.s32 $0x1;
	[dreg:$0x7] =	wrdreg s4;
	s0 =	sand.u32 $0x3FFFFFC0, s0  }
0x66: {  	_ =	swait.ge [sflag:s30], s0  }
0x67: {  	s31 =	sand.u32 $0x1, s8;
	s0 =	ssub.s32 $0x0, s0;
	[sflag:s30] =	ssyncset.done $0x0  }
0x68: {  	[dreg:$0xa] =	wrdreg s31;
	[sflag:s30] =	ssyncadd.s32 s0  }
0x69: {  	s0 =	simm.s32 $0x1  }
0x6a: {  	s0 =	simm.s32 @!p0 $0x0  }
0x6b: {  	s0 =	smul.u32 $0x8100, s0  }
.Ltmp4:
0x6c: {  	_ = 	snop;
	(pc) =	sbr.rel .LBB1_4-.Ltmp4, $4  }
0x6d: {  	_ = 	snop  }
0x6e: {  	s0 =	sshrl.u32 s0, $0x2  }
0x6f: {  	s24 =	sor.u32 $0x4000, s0;
	s0 =	rddreg [dreg:$0xa]  }
0x70: {  	s26 =	simm.s32 $0x0;
	s25 =	sshll.u32 @!p1 s0, $0xD  }
.LBB1_12:
0x71: {  	s26 =	sadd.s32 $0x1, s26  }
0x72: {  	p1 =	sne.s32 s26, s20  }
.Ltmp5:
0x73: {  	_ = 	snop;
	(pc) =	sbr.rel @!p1 .LBB1_13-.Ltmp5, $2  }
0x74: {  	_ =	sdelay $0x2  }
0x75: {  	s24 =	sadd.s32 $0x2040, s24  }
.LBB1_4:
0x76: {  	s0 =	sshll.u32 s26, $0xF;
	s28 =	simm.s32 $0x800  }
0x77: {  	s29 =	simm.s32 $0x1800;
	s30 =	simm.s32 $0x0;
	s0 =	sshra.s32 s0, $0x2  }
0x78: {  	s31 =	simm.s32 $0x0;
	s27 =	sadd.s32 s0, s25;
	s0 =	simm.s32 $0x0  }
.LBB1_5:
0x79: {  	s1 =	sshrl.u32 s30, $0xA;
	s2 =	sshll.u32 s0, $0x8  }
0x7a: {  	s3 =	sshrl.u32 s28, $0xA;
	s4 =	sshrl.u32 s29, $0xA;
	s2 =	sshra.s32 s2, $0x2  }
0x7b: {  	s5 =	sshrl.u32 s0, $0x4;
	s1 =	sand.u32 $0x7, s1;
	s2 =	sadd.s32 s2, s27  }
0x7c: {  	s14 =	sand.u32 $0x7F, s31;
	s3 =	sand.u32 $0x7, s3;
	s1 =	smul.u32 $0x1020, s1;
	v0 =	vmov s2  }
0x7d: {  	s6 =	sand.u32 $0x7, s4;
	s7 =	sand.u32 $0x38, s5;
	s3 =	smul.u32 $0x1020, s3  }
0x7e: {  	s17 =	simm.s32 $0x0;
	s6 =	smul.u32 $0x1020, s6;
	s18 =	sxor.u32 $0x20, s7  }
0x7f: {  	p2 =	sne.s32 s23, $0x1;
	p1 =	por $0x0, $0x0;
	s4 =	smul.u32 $0x204, s18  }
.Ltmp6:
0x80: {  	s17 =	sand.u32 $0x1C0, s17;
	s18 =	sshll.u32 s14, $0x2;
	(pc) =	sbr.rel @!p2 .LBB1_6-.Ltmp6, $4  }
0x81: {  	s1 =	sshrl.u32 s1, $0x2;
	s19 =	sshrl.u32 s3, $0x2;
	s22 =	sshrl.u32 s6, $0x2;
	v7 =	vld.idx.msk [tilespmem:v0+s17+$0x30 ss:$0x1], $0xffff  }
0x82: {  	s6 =	sshrl.u32 s18, $0x2;
	s2 =	sadd.s32 s1, s24;
	s4 =	sshrl.u32 s4, $0x2;
	v8 =	vld.idx.msk [tilespmem:v0+s17+$0x0 ss:$0x1], $0xffff  }
0x83: {  	s5 =	sadd.s32 s19, s24;
	s1 =	sadd.s32 s22, s24;
	s19 =	sadd.s32 s4, s24;
	v6 =	vld.idx.msk [tilespmem:v0+s17+$0x10 ss:$0x1], $0xffff  }
0x84: {  	s4 =	sadd.s32 $0xFFFFFFFF, s23;
	s3 =	sadd.s32 s6, s1;
	v5 =	vld.idx.msk [tilespmem:v0+s17+$0x20 ss:$0x1], $0xffff;
	s17 =	simm.s32 $0x40  }
0x85: {  	_ =	sdelay $0x1  }
0x86: {  	p2 =	sne.s32 s4, $0x1  }
.Ltmp7:
0x87: {  	s18 =	sand.u32 $0x1C0, s17;
	(pc) =	sbr.rel @!p2 .LBB1_8-.Ltmp7, $4  }
0x88: {  	s22 =	sadd.s32 s6, s2;
	s7 =	sadd.s32 s6, s5;
	v1 =	vld.idx.msk [tilespmem:v0+s18+$0x30 ss:$0x1], $0xffff;
	[tilespmem:s3+$0x0 ss:$0x81] =	vst.msk $0xffff, v7  }
0x89: {  	s17 =	sadd.s32 $0xFFFFFFFF, s4;
	s14 =	sadd.s32 s6, s19;
	s2 =	sadd.s32 $0x2040, s2;
	v2 =	vld.idx.msk [tilespmem:v0+s18+$0x0 ss:$0x1], $0xffff;
	[tilespmem:s22+$0x0 ss:$0x81] =	vst.msk $0xffff, v8  }
0x8a: {  	p1 =	por $0x1, $0x1;
	s4 =	smov.u32 s5;
	v3 =	vld.idx.msk [tilespmem:v0+s18+$0x10 ss:$0x1], $0xffff;
	s22 =	sadd.s32 $0x2040, s1;
	[tilespmem:s7+$0x0 ss:$0x81] =	vst.msk $0xffff, v6  }
0x8b: {  	v4 =	vld.idx.msk [tilespmem:v0+s18+$0x20 ss:$0x1], $0xffff;
	s18 =	simm.s32 $0x80;
	s1 =	smov.u32 s19;
	s3 =	sadd.s32 s6, s22;
	[tilespmem:s14+$0x0 ss:$0x81] =	vst.msk $0xffff, v5  }
.LBB1_9:
0x8c: {  	s14 =	sand.u32 $0x1C0, s18;
	p2 =	sne.s32 s17, $0x1;
	s17 =	sadd.s32 $0xFFFFFFFF, s17  }
.Ltmp8:
0x8d: {  	s7 =	sadd.s32 s6, s2;
	s4 =	sadd.s32 $0x2040, s4;
	[tilespmem:s3+$0x0 ss:$0x81] =	vst.msk $0xffff, v1;
	v1 =	vld.idx.msk [tilespmem:v0+s14+$0x30 ss:$0x1], $0xffff;
	(pc) =	sbr.rel @p2 .LBB1_9-.Ltmp8, $4  }
0x8e: {  	s1 =	sadd.s32 $0x2040, s1;
	s3 =	sadd.s32 s6, s4;
	[tilespmem:s7+$0x0 ss:$0x81] =	vst.msk $0xffff, v2;
	v2 =	vld.idx.msk [tilespmem:v0+s14+$0x0 ss:$0x1], $0xffff  }
0x8f: {  	[tilespmem:s3+$0x0 ss:$0x81] =	vst.msk $0xffff, v3;
	v3 =	vld.idx.msk [tilespmem:v0+s14+$0x10 ss:$0x1], $0xffff;
	s3 =	sadd.s32 s6, s1  }
0x90: {  	s22 =	sadd.s32 $0x2040, s22;
	[tilespmem:s3+$0x0 ss:$0x81] =	vst.msk $0xffff, v4;
	v4 =	vld.idx.msk [tilespmem:v0+s14+$0x20 ss:$0x1], $0xffff  }
0x91: {  	s18 =	sadd.s32 $0x40, s18;
	s2 =	sadd.s32 $0x2040, s2;
	s3 =	sadd.s32 s6, s22  }
0x92: {  	_ =	sdelay $0x2  }
0x93: {  	v7 =	vmovc v1;
	v8 =	vmov v2;
	v6 =	vmov v3;
	v5 =	vmov v4  }
.LBB1_11:
0x94: {  	s4 =	sadd.s32 @p1 $0x2040, s4;
	s1 =	sadd.s32 @p1 $0x2040, s1;
	s0 =	sadd.s32 $0x1, s0  }
0x95: {  	s5 =	smov.u32 @p1 s4;
	s19 =	smov.u32 @p1 s1;
	p1 =	sne.s32 s0, s21  }
.Ltmp9:
0x96: {  	_ = 	snop;
	(pc) =	sbr.rel @p1 .LBB1_5-.Ltmp9, $4  }
.Ltmp10:
0x97: {  	s2 =	sadd.s32 s6, s2;
	[tilespmem:s3+$0x0 ss:$0x81] =	vst.msk $0xffff, v7;
	(pc) =	sbr.rel @!p1 .LBB1_12-.Ltmp10, $4  }
0x98: {  	[tilespmem:s2+$0x0 ss:$0x81] =	vst.msk $0xffff, v8;
	s22 =	sadd.s32 s6, s5  }
0x99: {  	s31 =	sadd.s32 $0x1, s31;
	s1 =	sadd.s32 s6, s19;
	[tilespmem:s22+$0x0 ss:$0x81] =	vst.msk $0xffff, v6  }
0x9a: {  	s30 =	sadd.s32 $0x8, s30;
	s28 =	sadd.s32 $0x8, s28;
	s29 =	sadd.s32 $0x8, s29;
	[tilespmem:s1+$0x0 ss:$0x81] =	vst.msk $0xffff, v5  }
0x9b: {  	_ = 	snop  }
.LBB1_6:
.Ltmp11:
0x9c: {  	(pc) =	sbr.rel .LBB1_11-.Ltmp11, $2  }
0x9d: {  	_ =	sdelay $0x2  }
0x9e: {  	s4 =	smov.u32 s5;
	s1 =	smov.u32 s19  }
.LBB1_8:
.Ltmp12:
0x9f: {  	_ = 	snop;
	(pc) =	sbr.rel .LBB1_11-.Ltmp12, $2  }
0xa0: {  	_ =	sdelay $0x2  }
0xa1: {  	s4 =	smov.u32 s5;
	s1 =	smov.u32 s19;
	v7 =	vmovc v1;
	v8 =	vmov v2;
	v6 =	vmov v3;
	v5 =	vmov v4  }
.LBB1_15:
0xa2: {  	_ =	sfence.sel $0x180000  }
0xa3: {  	s0 =	simm.s32 $0x1;
	[bflag:$0x0] =	sbarrier.arrive $0xFFFF  }
0xa4: {  	s30 =	simm.s32 $0x2;
	[sflag:s0] =	ssyncpa.u1 $0x1  }
0xa5: {  	[sflag:s30] =	ssyncpa.u1 $0x1  }
0xa6: {  	_ =	strace $0x9000004A  }
0xa7: {  	s31 =	stileid.u32;
	[bflag:$0x2] =	sbarrier.arrive $0xFFFF  }
0xa8: {  	p0 =	sne.s32 s31, $0x0;
	s0 =	rddreg [dreg:$0x2]  }
0xa9: {  	s0 =	sadd.s32 @!p0 $0x100000, s0  }
0xaa: {  	[sflag:s0] =	ssyncadd.tile.s32 @!p0 $0x1;
	_ =	shalt  }
.Lfunc_end1:
_tile_overlayer_lowered:
.L_overlay_start_2:
0xab: {  	(tag) =	ssettag $0x2  }
0xac: {  	s0 =	rddreg [dreg:$0x0];
	s2 =	stileid.u32  }
0xad: {  	s1 =	rddreg [dreg:$0x1];
	p0 =	sne.s32 s2, $0x0  }
0xae: {  	s3 =	rddreg [dreg:$0x2];
	[bflag:$0x3] =	sbarrier.arrive $0xFFFF;
	s2 =	simm.s32 @!p0 $0x1C01  }
0xaf: {  	[timem:s3], [sflag:s2] =	dma.local @!p0 [hbm:s0], s1  }
0xb0: {  	s0 =	simm.s32 @!p0 $0x1  }
0xb1: {  	_ =	swait.ge @!p0 [sflag:s0], s1  }
0xb2: {  	s1 =	ssub.s32 @!p0 $0x0, s1;
	[sflag:s0] =	ssyncset.done @!p0 $0x0  }
0xb3: {  	[sflag:s0] =	ssyncadd.s32 @!p0 s1  }
0xb4: {  	[bflag:$0x3] =	sbarrier.arrive $0xFFFF  }
0xb5: {  	_ =	shalt  }

</sc_bundles>
